<compile_context>
chip_gen: v7x
topology: tpu7x:2x2x1
jax: 0.10.2.dev20260603
libtpu: 0.0.44.dev20260713+nightly
codegen_flags: <defaults>
</compile_context>

<pallas_src>
import functools

import jax
import jax.numpy as jnp
import numpy as np
from jax import lax
from jax.experimental import pallas as pl
from jax.experimental.pallas import tpu as pltpu
from jax.experimental.pallas import tpu_sc as plsc

N_FIELDS = 26
VOCAB_PER_FIELD = 100000
BATCH = 4096
EMBED_DIM = 64
TOTAL_ROWS = N_FIELDS * VOCAB_PER_FIELD
N_IDX = BATCH * N_FIELDS

GAMMA = 2000.0
PRETRAIN_EPOCH = 5
_TEMP = float(GAMMA ** (1.0 / (PRETRAIN_EPOCH - 1)))
_SCALING = float(1.0 + np.exp(-0.5))

_NC = 2
_NS = 16
_NW = _NC * _NS
_LANES = 16

_SLABS = [
    (0, 600000, 0, 6, 0),
    (600000, 600000, 6, 6, 0),
    (1200000, 600000, 12, 6, 0),
    (1800000, 600000, 18, 6, 0),
    (2399360, 200640, 24, 2, 640),
]


_VECS = BATCH // _LANES


def _sc_gather_body(raw_hbm, t0, t1, t2, t3, t4, out_hbm, idx_v, rows_v, sem):
    f = lax.axis_index("s") * _NC + lax.axis_index("c")

    @pl.when(f < N_FIELDS)
    def _():
        base = f * BATCH
        pltpu.sync_copy(raw_hbm.at[pl.ds(base, BATCH)], idx_v)

        slab = jnp.minimum(f // 6, 4)
        local = f - slab * 6
        off = jnp.where(f >= 24, local * VOCAB_PER_FIELD + 640,
                        local * VOCAB_PER_FIELD).astype(jnp.int32)

        @pl.loop(0, _VECS, unroll=8)
        def _(i):
            s = pl.ds(i * _LANES, _LANES)
            idx_v[s] = idx_v[s] + off

        for j, tab in enumerate((t0, t1, t2, t3, t4)):
            lo = j * 6

            @pl.when((f >= lo) & (f < min(lo + 6, N_FIELDS)))
            def _(tab=tab):
                pltpu.async_copy(tab.at[idx_v], rows_v, sem).wait()

        pltpu.sync_copy(rows_v, out_hbm.at[pl.ds(base, BATCH)])


_sc_gather = functools.partial(
    pl.kernel,
    out_type=jax.ShapeDtypeStruct((N_IDX,), jnp.float32),
    mesh=plsc.VectorSubcoreMesh(
        core_axis_name="c", subcore_axis_name="s", num_cores=_NC,
        num_subcores=_NS,
    ),
    scratch_types=[
        pltpu.VMEM((BATCH,), jnp.int32),
        pltpu.VMEM((BATCH,), jnp.float32),
        pltpu.SemaphoreType.DMA,
    ],
)(_sc_gather_body)

_F_BLK = 2


def _tc_mul_body(x_ref, mw_ref, o_ref):
    gate = _SCALING * jax.nn.sigmoid(_TEMP * mw_ref[...])
    o_ref[...] = x_ref[...] * gate.reshape(_F_BLK, 1, BATCH)


_tc_mul = pl.pallas_call(
    _tc_mul_body,
    grid=(N_FIELDS // _F_BLK,),
    in_specs=[
        pl.BlockSpec((_F_BLK, EMBED_DIM, BATCH), lambda f: (f, 0, 0)),
        pl.BlockSpec((_F_BLK * BATCH,), lambda f: (f,)),
    ],
    out_specs=pl.BlockSpec((_F_BLK, EMBED_DIM, BATCH), lambda f: (f, 0, 0)),
    out_shape=jax.ShapeDtypeStruct((N_FIELDS, EMBED_DIM, BATCH), jnp.float32),
)


def kernel(x, current_epoch, current_step, raw_data, mask_weight):
    xt = jnp.transpose(x, (1, 2, 0))
    raw_flat = jnp.transpose(raw_data, (1, 0)).astype(jnp.int32).reshape(-1)
    slabs = [mask_weight[r0:r0 + nrows].reshape(-1)
             for r0, nrows, _, _, _ in _SLABS]
    mw_flat = _sc_gather(raw_flat, *slabs)
    out_t = _tc_mul(xt, mw_flat)
    return jnp.transpose(out_t, (2, 0, 1))

# --- scband reference (transcript-rebuilt; emitter-appended) ---
"""Pipeline reference for scband-optfs-32384053412583 (READ-ONLY COPY).

The authoritative reference and input builder live on the scoring server;
editing this copy changes nothing except your own understanding.
"""

import jax, jax.numpy as jnp
import numpy as np

N_FIELDS = 26
VOCAB_PER_FIELD = 100000
UNIQUE_VALUES = np.full(N_FIELDS, VOCAB_PER_FIELD, dtype=np.int64)
OFFSETS = jnp.asarray(np.concatenate([[0], np.cumsum(UNIQUE_VALUES)[:-1]]), dtype=jnp.int64)
TOTAL_ROWS = int(np.sum(UNIQUE_VALUES))
GAMMA = 2000.0
PRETRAIN_EPOCH = 5
BATCH = 4096
EMBED_DIM = 64


def setup_inputs(seed: int = 0) -> dict:
    key = jax.random.key(seed)
    k1, k2 = jax.random.split(key)
    x = jax.random.normal(k1, (BATCH, N_FIELDS, EMBED_DIM), dtype=jnp.float32)
    raw_data = jax.random.randint(k2, (BATCH, N_FIELDS), 0, VOCAB_PER_FIELD, dtype=jnp.int64)
    # learned parameter: mask weight table, initialized to 0.5 like nn.init.constant_
    mask_weight = jnp.full((TOTAL_ROWS, 1), 0.5, dtype=jnp.float32)
    return {"x": x, "current_epoch": 0, "current_step": 0, "raw_data": raw_data, "mask_weight": mask_weight}


def reference(x, current_epoch, current_step, raw_data, mask_weight):
    # temp update: forward is called with current_epoch != self.current_epoch (-1),
    # so temp is multiplied once by temp_increase before mask computation
    temp_increase = GAMMA ** (1.0 / (PRETRAIN_EPOCH - 1))
    temp = 1.0 * temp_increase
    # scaling = 1 / sigmoid(0.5)
    scaling = float(1.0 / (1.0 / (1.0 + np.exp(-0.5))))
    # F.embedding(raw_data + offsets, mask_weight) -> gather rows of [TOTAL_ROWS, 1] table
    idx = raw_data + OFFSETS[None, :]
    mw = jnp.take(mask_weight, idx, axis=0)  # [B, F, 1]
    # mode == 'train' => ticket False => soft sigmoid mask
    mask = jax.nn.sigmoid(temp * mw)
    return x * (scaling * mask)

if __name__ == "__main__":
    import jax
    _d = setup_inputs()
    print(jax.jit(kernel)(*tuple(_d.values())))

</pallas_src>

<mosaic_0001>
#map = affine_map<(d0, d1) -> (0)>
module attributes {stable_mosaic.version = 14 : i64} {
  func.func @_sc_gather_body(%arg0: i32, %arg1: i32, %arg2: memref<106496xi32, #tpu.memory_space<hbm>>, %arg3: memref<600000xf32, #tpu.memory_space<hbm>>, %arg4: memref<600000xf32, #tpu.memory_space<hbm>>, %arg5: memref<600000xf32, #tpu.memory_space<hbm>>, %arg6: memref<600000xf32, #tpu.memory_space<hbm>>, %arg7: memref<200640xf32, #tpu.memory_space<hbm>>, %arg8: memref<106496xf32, #tpu.memory_space<hbm>>, %arg9: memref<4096xi32, #tpu.memory_space<vmem>>, %arg10: memref<4096xf32, #tpu.memory_space<vmem>>, %arg11: memref<!tpu.dma_semaphore, #tpu.memory_space<semaphore_mem>>) attributes {dimension_semantics = [#tpu.dimension_semantics<core_parallel>, #tpu.dimension_semantics<subcore_parallel>], iteration_bounds = array<i64: 2, 16>, scalar_prefetch = 0 : i64, scratch_operands = 3 : i64, tpu.core_type = #tpu.core_type<sc_vector_subcore>, window_params = [{transform_indices = #map}, {transform_indices = #map}, {transform_indices = #map}, {transform_indices = #map}, {transform_indices = #map}, {transform_indices = #map}, {transform_indices = #map}]} {
    %mul3A = arith.constant 2 : i32
    %mul3A_0 = arith.muli %arg1, %mul3A : i32
    %add3A = arith.addi %mul3A_0, %arg0 : i32
    %lt3A = arith.constant 26 : i32
    %lt3A_1 = arith.cmpi slt, %add3A, %lt3A : i32
    %convert_element_type3A = arith.extui %lt3A_1 : i1 to i32
    %cond3A = arith.constant 0 : i32
    %cond3A_2 = arith.cmpi ne, %convert_element_type3A, %cond3A : i32
    scf.if %cond3A_2 {
      %mul3A_3 = arith.constant 4096 : i32
      %mul3A_4 = arith.muli %add3A, %mul3A_3 : i32
      "tpu.region"() ({
        %run_scoped3A = tpu.sem_alloc : memref<!tpu.dma_semaphore, #tpu.memory_space<semaphore_mem>>
        %dma_start3A = tpu.memref_slice %arg2[%mul3A_4] : memref<106496xi32, #tpu.memory_space<hbm>> -> memref<4096xi32, #tpu.memory_space<hbm>>
        %dma_start3A_77 = tpu.memref_slice %arg2[%mul3A_4] : memref<106496xi32, #tpu.memory_space<hbm>> -> memref<4096xi32, #tpu.memory_space<hbm>>
        tpu.enqueue_dma source(%dma_start3A_77 : memref<4096xi32, #tpu.memory_space<hbm>>) target(%arg9 : memref<4096xi32, #tpu.memory_space<vmem>>) target_semaphore(%run_scoped3A : memref<!tpu.dma_semaphore, #tpu.memory_space<semaphore_mem>>)
        %dma_wait3A = tpu.memref_slice %arg2[%mul3A_4] : memref<106496xi32, #tpu.memory_space<hbm>> -> memref<4096xi32, #tpu.memory_space<hbm>>
        %dma_wait3A_78 = tpu.memref_slice %arg2[%mul3A_4] : memref<106496xi32, #tpu.memory_space<hbm>> -> memref<4096xi32, #tpu.memory_space<hbm>>
        tpu.wait_dma2 semaphore(%run_scoped3A : memref<!tpu.dma_semaphore, #tpu.memory_space<semaphore_mem>>) src(%dma_wait3A_78 : memref<4096xi32, #tpu.memory_space<hbm>>) dst(%arg9 : memref<4096xi32, #tpu.memory_space<vmem>>)
        tpu.yield
      }) : () -> ()
      %jit3A = arith.constant 6 : i32
      %div3A = arith.divsi %add3A, %jit3A : i32
      %sign3A = arith.constant 0 : i32
      %sign3A_5 = arith.cmpi sgt, %add3A, %sign3A : i32
      %sign3A_6 = arith.extui %sign3A_5 : i1 to i32
      %sign3A_7 = arith.constant 0 : i32
      %sign3A_8 = arith.cmpi slt, %add3A, %sign3A_7 : i32
      %sign3A_9 = arith.extui %sign3A_8 : i1 to i32
      %sign3A_10 = arith.subi %sign3A_6, %sign3A_9 : i32
      %sign3A_11 = arith.constant 0 : i32
      %sign3A_12 = arith.cmpi sgt, %jit3A, %sign3A_11 : i32
      %sign3A_13 = arith.extui %sign3A_12 : i1 to i32
      %sign3A_14 = arith.constant 0 : i32
      %sign3A_15 = arith.cmpi slt, %jit3A, %sign3A_14 : i32
      %sign3A_16 = arith.extui %sign3A_15 : i1 to i32
      %sign3A_17 = arith.subi %sign3A_13, %sign3A_16 : i32
      %ne3A = arith.cmpi ne, %sign3A_10, %sign3A_17 : i32
      %rem3A = arith.remsi %add3A, %jit3A : i32
      %ne3A_18 = arith.constant 0 : i32
      %ne3A_19 = arith.cmpi ne, %rem3A, %ne3A_18 : i32
      %and3A = arith.andi %ne3A, %ne3A_19 : i1
      %sub3A = arith.constant 1 : i32
      %sub3A_20 = arith.subi %div3A, %sub3A : i32
      %select_n3A = arith.select %and3A, %sub3A_20, %div3A : i32
      %min3A = arith.constant 4 : i32
      %min3A_21 = arith.minsi %select_n3A, %min3A : i32
      %mul3A_22 = arith.constant 6 : i32
      %mul3A_23 = arith.muli %min3A_21, %mul3A_22 : i32
      %sub3A_24 = arith.subi %add3A, %mul3A_23 : i32
      %ge3A = arith.constant 24 : i32
      %ge3A_25 = arith.cmpi sge, %add3A, %ge3A : i32
      %mul3A_26 = arith.constant 100000 : i32
      %mul3A_27 = arith.muli %sub3A_24, %mul3A_26 : i32
      %add3A_28 = arith.constant 640 : i32
      %add3A_29 = arith.addi %mul3A_27, %add3A_28 : i32
      %mul3A_30 = arith.constant 100000 : i32
      %mul3A_31 = arith.muli %sub3A_24, %mul3A_30 : i32
      %select_n3A_32 = arith.select %ge3A_25, %add3A_29, %mul3A_31 : i32
      %scan3A = arith.constant 0 : i32
      %scan3A_33 = arith.constant 256 : i32
      %scan3A_34 = arith.addi %scan3A, %scan3A_33 : i32
      %scan3A_35 = arith.constant 8 : i32
      scf.for %scan3A_77 = %scan3A to %scan3A_34 step %scan3A_35  : i32 {
        %mul3A_78 = arith.constant 1 : i32
        %mul3A_79 = arith.muli %scan3A_77, %mul3A_78 : i32
        %add3A_80 = arith.constant 0 : i32
        %add3A_81 = arith.addi %add3A_80, %mul3A_79 : i32
        %mul3A_82 = arith.constant 16 : i32
        %mul3A_83 = arith.muli %add3A_81, %mul3A_82 : i32
        %get3A = arith.index_cast %mul3A_83 : i32 to index
        %get3A_84 = tpu.vector_load %arg9[%get3A] {strides = array<i32>} : memref<4096xi32, #tpu.memory_space<vmem>>, vector<16xi32>,
        %get3A_85 = vector.shape_cast %get3A_84 : vector<16xi32> to vector<16xi32>
        %add3A_86 = vector.broadcast %select_n3A_32 : i32 to vector<16xi32>
        %add3A_87 = arith.addi %get3A_85, %add3A_86 : vector<16xi32>
        %swap3A = arith.index_cast %mul3A_83 : i32 to index
        %swap3A_88 = tpu.vector_load %arg9[%swap3A] {strides = array<i32>} : memref<4096xi32, #tpu.memory_space<vmem>>, vector<16xi32>,
        %swap3A_89 = vector.shape_cast %swap3A_88 : vector<16xi32> to vector<16xi32>
        %swap3A_90 = vector.shape_cast %add3A_87 : vector<16xi32> to vector<16xi32>
        tpu.vector_store %arg9[%swap3A], %swap3A_90 {strides = array<i32>} : memref<4096xi32, #tpu.memory_space<vmem>>, vector<16xi32>,
        %scan3A_91 = arith.constant 1 : i32
        %scan3A_92 = arith.addi %scan3A_77, %scan3A_91 : i32
        %mul3A_93 = arith.constant 1 : i32
        %mul3A_94 = arith.muli %scan3A_92, %mul3A_93 : i32
        %add3A_95 = arith.constant 0 : i32
        %add3A_96 = arith.addi %add3A_95, %mul3A_94 : i32
        %mul3A_97 = arith.constant 16 : i32
        %mul3A_98 = arith.muli %add3A_96, %mul3A_97 : i32
        %get3A_99 = arith.index_cast %mul3A_98 : i32 to index
        %get3A_100 = tpu.vector_load %arg9[%get3A_99] {strides = array<i32>} : memref<4096xi32, #tpu.memory_space<vmem>>, vector<16xi32>,
        %get3A_101 = vector.shape_cast %get3A_100 : vector<16xi32> to vector<16xi32>
        %add3A_102 = vector.broadcast %select_n3A_32 : i32 to vector<16xi32>
        %add3A_103 = arith.addi %get3A_101, %add3A_102 : vector<16xi32>
        %swap3A_104 = arith.index_cast %mul3A_98 : i32 to index
        %swap3A_105 = tpu.vector_load %arg9[%swap3A_104] {strides = array<i32>} : memref<4096xi32, #tpu.memory_space<vmem>>, vector<16xi32>,
        %swap3A_106 = vector.shape_cast %swap3A_105 : vector<16xi32> to vector<16xi32>
        %swap3A_107 = vector.shape_cast %add3A_103 : vector<16xi32> to vector<16xi32>
        tpu.vector_store %arg9[%swap3A_104], %swap3A_107 {strides = array<i32>} : memref<4096xi32, #tpu.memory_space<vmem>>, vector<16xi32>,
        %scan3A_108 = arith.constant 2 : i32
        %scan3A_109 = arith.addi %scan3A_77, %scan3A_108 : i32
        %mul3A_110 = arith.constant 1 : i32
        %mul3A_111 = arith.muli %scan3A_109, %mul3A_110 : i32
        %add3A_112 = arith.constant 0 : i32
        %add3A_113 = arith.addi %add3A_112, %mul3A_111 : i32
        %mul3A_114 = arith.constant 16 : i32
        %mul3A_115 = arith.muli %add3A_113, %mul3A_114 : i32
        %get3A_116 = arith.index_cast %mul3A_115 : i32 to index
        %get3A_117 = tpu.vector_load %arg9[%get3A_116] {strides = array<i32>} : memref<4096xi32, #tpu.memory_space<vmem>>, vector<16xi32>,
        %get3A_118 = vector.shape_cast %get3A_117 : vector<16xi32> to vector<16xi32>
        %add3A_119 = vector.broadcast %select_n3A_32 : i32 to vector<16xi32>
        %add3A_120 = arith.addi %get3A_118, %add3A_119 : vector<16xi32>
        %swap3A_121 = arith.index_cast %mul3A_115 : i32 to index
        %swap3A_122 = tpu.vector_load %arg9[%swap3A_121] {strides = array<i32>} : memref<4096xi32, #tpu.memory_space<vmem>>, vector<16xi32>,
        %swap3A_123 = vector.shape_cast %swap3A_122 : vector<16xi32> to vector<16xi32>
        %swap3A_124 = vector.shape_cast %add3A_120 : vector<16xi32> to vector<16xi32>
        tpu.vector_store %arg9[%swap3A_121], %swap3A_124 {strides = array<i32>} : memref<4096xi32, #tpu.memory_space<vmem>>, vector<16xi32>,
        %scan3A_125 = arith.constant 3 : i32
        %scan3A_126 = arith.addi %scan3A_77, %scan3A_125 : i32
        %mul3A_127 = arith.constant 1 : i32
        %mul3A_128 = arith.muli %scan3A_126, %mul3A_127 : i32
        %add3A_129 = arith.constant 0 : i32
        %add3A_130 = arith.addi %add3A_129, %mul3A_128 : i32
        %mul3A_131 = arith.constant 16 : i32
        %mul3A_132 = arith.muli %add3A_130, %mul3A_131 : i32
        %get3A_133 = arith.index_cast %mul3A_132 : i32 to index
        %get3A_134 = tpu.vector_load %arg9[%get3A_133] {strides = array<i32>} : memref<4096xi32, #tpu.memory_space<vmem>>, vector<16xi32>,
        %get3A_135 = vector.shape_cast %get3A_134 : vector<16xi32> to vector<16xi32>
        %add3A_136 = vector.broadcast %select_n3A_32 : i32 to vector<16xi32>
        %add3A_137 = arith.addi %get3A_135, %add3A_136 : vector<16xi32>
        %swap3A_138 = arith.index_cast %mul3A_132 : i32 to index
        %swap3A_139 = tpu.vector_load %arg9[%swap3A_138] {strides = array<i32>} : memref<4096xi32, #tpu.memory_space<vmem>>, vector<16xi32>,
        %swap3A_140 = vector.shape_cast %swap3A_139 : vector<16xi32> to vector<16xi32>
        %swap3A_141 = vector.shape_cast %add3A_137 : vector<16xi32> to vector<16xi32>
        tpu.vector_store %arg9[%swap3A_138], %swap3A_141 {strides = array<i32>} : memref<4096xi32, #tpu.memory_space<vmem>>, vector<16xi32>,
        %scan3A_142 = arith.constant 4 : i32
        %scan3A_143 = arith.addi %scan3A_77, %scan3A_142 : i32
        %mul3A_144 = arith.constant 1 : i32
        %mul3A_145 = arith.muli %scan3A_143, %mul3A_144 : i32
        %add3A_146 = arith.constant 0 : i32
        %add3A_147 = arith.addi %add3A_146, %mul3A_145 : i32
        %mul3A_148 = arith.constant 16 : i32
        %mul3A_149 = arith.muli %add3A_147, %mul3A_148 : i32
        %get3A_150 = arith.index_cast %mul3A_149 : i32 to index
        %get3A_151 = tpu.vector_load %arg9[%get3A_150] {strides = array<i32>} : memref<4096xi32, #tpu.memory_space<vmem>>, vector<16xi32>,
        %get3A_152 = vector.shape_cast %get3A_151 : vector<16xi32> to vector<16xi32>
        %add3A_153 = vector.broadcast %select_n3A_32 : i32 to vector<16xi32>
        %add3A_154 = arith.addi %get3A_152, %add3A_153 : vector<16xi32>
        %swap3A_155 = arith.index_cast %mul3A_149 : i32 to index
        %swap3A_156 = tpu.vector_load %arg9[%swap3A_155] {strides = array<i32>} : memref<4096xi32, #tpu.memory_space<vmem>>, vector<16xi32>,
        %swap3A_157 = vector.shape_cast %swap3A_156 : vector<16xi32> to vector<16xi32>
        %swap3A_158 = vector.shape_cast %add3A_154 : vector<16xi32> to vector<16xi32>
        tpu.vector_store %arg9[%swap3A_155], %swap3A_158 {strides = array<i32>} : memref<4096xi32, #tpu.memory_space<vmem>>, vector<16xi32>,
        %scan3A_159 = arith.constant 5 : i32
        %scan3A_160 = arith.addi %scan3A_77, %scan3A_159 : i32
        %mul3A_161 = arith.constant 1 : i32
        %mul3A_162 = arith.muli %scan3A_160, %mul3A_161 : i32
        %add3A_163 = arith.constant 0 : i32
        %add3A_164 = arith.addi %add3A_163, %mul3A_162 : i32
        %mul3A_165 = arith.constant 16 : i32
        %mul3A_166 = arith.muli %add3A_164, %mul3A_165 : i32
        %get3A_167 = arith.index_cast %mul3A_166 : i32 to index
        %get3A_168 = tpu.vector_load %arg9[%get3A_167] {strides = array<i32>} : memref<4096xi32, #tpu.memory_space<vmem>>, vector<16xi32>,
        %get3A_169 = vector.shape_cast %get3A_168 : vector<16xi32> to vector<16xi32>
        %add3A_170 = vector.broadcast %select_n3A_32 : i32 to vector<16xi32>
        %add3A_171 = arith.addi %get3A_169, %add3A_170 : vector<16xi32>
        %swap3A_172 = arith.index_cast %mul3A_166 : i32 to index
        %swap3A_173 = tpu.vector_load %arg9[%swap3A_172] {strides = array<i32>} : memref<4096xi32, #tpu.memory_space<vmem>>, vector<16xi32>,
        %swap3A_174 = vector.shape_cast %swap3A_173 : vector<16xi32> to vector<16xi32>
        %swap3A_175 = vector.shape_cast %add3A_171 : vector<16xi32> to vector<16xi32>
        tpu.vector_store %arg9[%swap3A_172], %swap3A_175 {strides = array<i32>} : memref<4096xi32, #tpu.memory_space<vmem>>, vector<16xi32>,
        %scan3A_176 = arith.constant 6 : i32
        %scan3A_177 = arith.addi %scan3A_77, %scan3A_176 : i32
        %mul3A_178 = arith.constant 1 : i32
        %mul3A_179 = arith.muli %scan3A_177, %mul3A_178 : i32
        %add3A_180 = arith.constant 0 : i32
        %add3A_181 = arith.addi %add3A_180, %mul3A_179 : i32
        %mul3A_182 = arith.constant 16 : i32
        %mul3A_183 = arith.muli %add3A_181, %mul3A_182 : i32
        %get3A_184 = arith.index_cast %mul3A_183 : i32 to index
        %get3A_185 = tpu.vector_load %arg9[%get3A_184] {strides = array<i32>} : memref<4096xi32, #tpu.memory_space<vmem>>, vector<16xi32>,
        %get3A_186 = vector.shape_cast %get3A_185 : vector<16xi32> to vector<16xi32>
        %add3A_187 = vector.broadcast %select_n3A_32 : i32 to vector<16xi32>
        %add3A_188 = arith.addi %get3A_186, %add3A_187 : vector<16xi32>
        %swap3A_189 = arith.index_cast %mul3A_183 : i32 to index
        %swap3A_190 = tpu.vector_load %arg9[%swap3A_189] {strides = array<i32>} : memref<4096xi32, #tpu.memory_space<vmem>>, vector<16xi32>,
        %swap3A_191 = vector.shape_cast %swap3A_190 : vector<16xi32> to vector<16xi32>
        %swap3A_192 = vector.shape_cast %add3A_188 : vector<16xi32> to vector<16xi32>
        tpu.vector_store %arg9[%swap3A_189], %swap3A_192 {strides = array<i32>} : memref<4096xi32, #tpu.memory_space<vmem>>, vector<16xi32>,
        %scan3A_193 = arith.constant 7 : i32
        %scan3A_194 = arith.addi %scan3A_77, %scan3A_193 : i32
        %mul3A_195 = arith.constant 1 : i32
        %mul3A_196 = arith.muli %scan3A_194, %mul3A_195 : i32
        %add3A_197 = arith.constant 0 : i32
        %add3A_198 = arith.addi %add3A_197, %mul3A_196 : i32
        %mul3A_199 = arith.constant 16 : i32
        %mul3A_200 = arith.muli %add3A_198, %mul3A_199 : i32
        %get3A_201 = arith.index_cast %mul3A_200 : i32 to index
        %get3A_202 = tpu.vector_load %arg9[%get3A_201] {strides = array<i32>} : memref<4096xi32, #tpu.memory_space<vmem>>, vector<16xi32>,
        %get3A_203 = vector.shape_cast %get3A_202 : vector<16xi32> to vector<16xi32>
        %add3A_204 = vector.broadcast %select_n3A_32 : i32 to vector<16xi32>
        %add3A_205 = arith.addi %get3A_203, %add3A_204 : vector<16xi32>
        %swap3A_206 = arith.index_cast %mul3A_200 : i32 to index
        %swap3A_207 = tpu.vector_load %arg9[%swap3A_206] {strides = array<i32>} : memref<4096xi32, #tpu.memory_space<vmem>>, vector<16xi32>,
        %swap3A_208 = vector.shape_cast %swap3A_207 : vector<16xi32> to vector<16xi32>
        %swap3A_209 = vector.shape_cast %add3A_205 : vector<16xi32> to vector<16xi32>
        tpu.vector_store %arg9[%swap3A_206], %swap3A_209 {strides = array<i32>} : memref<4096xi32, #tpu.memory_space<vmem>>, vector<16xi32>,
      }
      %scan3A_36 = arith.constant 256 : i32
      %ge3A_37 = arith.constant 0 : i32
      %ge3A_38 = arith.cmpi sge, %add3A, %ge3A_37 : i32
      %lt3A_39 = arith.constant 6 : i32
      %lt3A_40 = arith.cmpi slt, %add3A, %lt3A_39 : i32
      %and3A_41 = arith.andi %ge3A_38, %lt3A_40 : i1
      %convert_element_type3A_42 = arith.extui %and3A_41 : i1 to i32
      %cond3A_43 = arith.constant 0 : i32
      %cond3A_44 = arith.cmpi ne, %convert_element_type3A_42, %cond3A_43 : i32
      scf.if %cond3A_44 {
        %dma_start3A = arith.constant 0 : i32
        %dma_start3A_77 = tpu.memref_slice %arg3[%dma_start3A] : memref<600000xf32, #tpu.memory_space<hbm>> -> memref<600000xf32, #tpu.memory_space<hbm>>
        tpu.enqueue_indirect_dma source(%dma_start3A_77 : memref<600000xf32, #tpu.memory_space<hbm>>) target(%arg10 : memref<4096xf32, #tpu.memory_space<vmem>>) offsets(%arg9 : memref<4096xi32, #tpu.memory_space<vmem>>) semaphore(%arg11 : memref<!tpu.dma_semaphore, #tpu.memory_space<semaphore_mem>>)
        %dma_wait3A = arith.constant 0 : i32
        %dma_wait3A_78 = tpu.memref_slice %arg3[%dma_wait3A] : memref<600000xf32, #tpu.memory_space<hbm>> -> memref<600000xf32, #tpu.memory_space<hbm>>
        tpu.wait_indirect_dma semaphore(%arg11 : memref<!tpu.dma_semaphore, #tpu.memory_space<semaphore_mem>>) src(%dma_wait3A_78 : memref<600000xf32, #tpu.memory_space<hbm>>) dst(%arg10 : memref<4096xf32, #tpu.memory_space<vmem>>)
      } else {
      }
      %ge3A_45 = arith.constant 6 : i32
      %ge3A_46 = arith.cmpi sge, %add3A, %ge3A_45 : i32
      %lt3A_47 = arith.constant 12 : i32
      %lt3A_48 = arith.cmpi slt, %add3A, %lt3A_47 : i32
      %and3A_49 = arith.andi %ge3A_46, %lt3A_48 : i1
      %convert_element_type3A_50 = arith.extui %and3A_49 : i1 to i32
      %cond3A_51 = arith.constant 0 : i32
      %cond3A_52 = arith.cmpi ne, %convert_element_type3A_50, %cond3A_51 : i32
      scf.if %cond3A_52 {
        %dma_start3A = arith.constant 0 : i32
        %dma_start3A_77 = tpu.memref_slice %arg4[%dma_start3A] : memref<600000xf32, #tpu.memory_space<hbm>> -> memref<600000xf32, #tpu.memory_space<hbm>>
        tpu.enqueue_indirect_dma source(%dma_start3A_77 : memref<600000xf32, #tpu.memory_space<hbm>>) target(%arg10 : memref<4096xf32, #tpu.memory_space<vmem>>) offsets(%arg9 : memref<4096xi32, #tpu.memory_space<vmem>>) semaphore(%arg11 : memref<!tpu.dma_semaphore, #tpu.memory_space<semaphore_mem>>)
        %dma_wait3A = arith.constant 0 : i32
        %dma_wait3A_78 = tpu.memref_slice %arg4[%dma_wait3A] : memref<600000xf32, #tpu.memory_space<hbm>> -> memref<600000xf32, #tpu.memory_space<hbm>>
        tpu.wait_indirect_dma semaphore(%arg11 : memref<!tpu.dma_semaphore, #tpu.memory_space<semaphore_mem>>) src(%dma_wait3A_78 : memref<600000xf32, #tpu.memory_space<hbm>>) dst(%arg10 : memref<4096xf32, #tpu.memory_space<vmem>>)
      } else {
      }
      %ge3A_53 = arith.constant 12 : i32
      %ge3A_54 = arith.cmpi sge, %add3A, %ge3A_53 : i32
      %lt3A_55 = arith.constant 18 : i32
      %lt3A_56 = arith.cmpi slt, %add3A, %lt3A_55 : i32
      %and3A_57 = arith.andi %ge3A_54, %lt3A_56 : i1
      %convert_element_type3A_58 = arith.extui %and3A_57 : i1 to i32
      %cond3A_59 = arith.constant 0 : i32
      %cond3A_60 = arith.cmpi ne, %convert_element_type3A_58, %cond3A_59 : i32
      scf.if %cond3A_60 {
        %dma_start3A = arith.constant 0 : i32
        %dma_start3A_77 = tpu.memref_slice %arg5[%dma_start3A] : memref<600000xf32, #tpu.memory_space<hbm>> -> memref<600000xf32, #tpu.memory_space<hbm>>
        tpu.enqueue_indirect_dma source(%dma_start3A_77 : memref<600000xf32, #tpu.memory_space<hbm>>) target(%arg10 : memref<4096xf32, #tpu.memory_space<vmem>>) offsets(%arg9 : memref<4096xi32, #tpu.memory_space<vmem>>) semaphore(%arg11 : memref<!tpu.dma_semaphore, #tpu.memory_space<semaphore_mem>>)
        %dma_wait3A = arith.constant 0 : i32
        %dma_wait3A_78 = tpu.memref_slice %arg5[%dma_wait3A] : memref<600000xf32, #tpu.memory_space<hbm>> -> memref<600000xf32, #tpu.memory_space<hbm>>
        tpu.wait_indirect_dma semaphore(%arg11 : memref<!tpu.dma_semaphore, #tpu.memory_space<semaphore_mem>>) src(%dma_wait3A_78 : memref<600000xf32, #tpu.memory_space<hbm>>) dst(%arg10 : memref<4096xf32, #tpu.memory_space<vmem>>)
      } else {
      }
      %ge3A_61 = arith.constant 18 : i32
      %ge3A_62 = arith.cmpi sge, %add3A, %ge3A_61 : i32
      %lt3A_63 = arith.constant 24 : i32
      %lt3A_64 = arith.cmpi slt, %add3A, %lt3A_63 : i32
      %and3A_65 = arith.andi %ge3A_62, %lt3A_64 : i1
      %convert_element_type3A_66 = arith.extui %and3A_65 : i1 to i32
      %cond3A_67 = arith.constant 0 : i32
      %cond3A_68 = arith.cmpi ne, %convert_element_type3A_66, %cond3A_67 : i32
      scf.if %cond3A_68 {
        %dma_start3A = arith.constant 0 : i32
        %dma_start3A_77 = tpu.memref_slice %arg6[%dma_start3A] : memref<600000xf32, #tpu.memory_space<hbm>> -> memref<600000xf32, #tpu.memory_space<hbm>>
        tpu.enqueue_indirect_dma source(%dma_start3A_77 : memref<600000xf32, #tpu.memory_space<hbm>>) target(%arg10 : memref<4096xf32, #tpu.memory_space<vmem>>) offsets(%arg9 : memref<4096xi32, #tpu.memory_space<vmem>>) semaphore(%arg11 : memref<!tpu.dma_semaphore, #tpu.memory_space<semaphore_mem>>)
        %dma_wait3A = arith.constant 0 : i32
        %dma_wait3A_78 = tpu.memref_slice %arg6[%dma_wait3A] : memref<600000xf32, #tpu.memory_space<hbm>> -> memref<600000xf32, #tpu.memory_space<hbm>>
        tpu.wait_indirect_dma semaphore(%arg11 : memref<!tpu.dma_semaphore, #tpu.memory_space<semaphore_mem>>) src(%dma_wait3A_78 : memref<600000xf32, #tpu.memory_space<hbm>>) dst(%arg10 : memref<4096xf32, #tpu.memory_space<vmem>>)
      } else {
      }
      %ge3A_69 = arith.constant 24 : i32
      %ge3A_70 = arith.cmpi sge, %add3A, %ge3A_69 : i32
      %lt3A_71 = arith.constant 26 : i32
      %lt3A_72 = arith.cmpi slt, %add3A, %lt3A_71 : i32
      %and3A_73 = arith.andi %ge3A_70, %lt3A_72 : i1
      %convert_element_type3A_74 = arith.extui %and3A_73 : i1 to i32
      %cond3A_75 = arith.constant 0 : i32
      %cond3A_76 = arith.cmpi ne, %convert_element_type3A_74, %cond3A_75 : i32
      scf.if %cond3A_76 {
        %dma_start3A = arith.constant 0 : i32
        %dma_start3A_77 = tpu.memref_slice %arg7[%dma_start3A] : memref<200640xf32, #tpu.memory_space<hbm>> -> memref<200640xf32, #tpu.memory_space<hbm>>
        tpu.enqueue_indirect_dma source(%dma_start3A_77 : memref<200640xf32, #tpu.memory_space<hbm>>) target(%arg10 : memref<4096xf32, #tpu.memory_space<vmem>>) offsets(%arg9 : memref<4096xi32, #tpu.memory_space<vmem>>) semaphore(%arg11 : memref<!tpu.dma_semaphore, #tpu.memory_space<semaphore_mem>>)
        %dma_wait3A = arith.constant 0 : i32
        %dma_wait3A_78 = tpu.memref_slice %arg7[%dma_wait3A] : memref<200640xf32, #tpu.memory_space<hbm>> -> memref<200640xf32, #tpu.memory_space<hbm>>
        tpu.wait_indirect_dma semaphore(%arg11 : memref<!tpu.dma_semaphore, #tpu.memory_space<semaphore_mem>>) src(%dma_wait3A_78 : memref<200640xf32, #tpu.memory_space<hbm>>) dst(%arg10 : memref<4096xf32, #tpu.memory_space<vmem>>)
      } else {
      }
      "tpu.region"() ({
        %run_scoped3A = tpu.sem_alloc : memref<!tpu.dma_semaphore, #tpu.memory_space<semaphore_mem>>
        %dma_start3A = tpu.memref_slice %arg8[%mul3A_4] : memref<106496xf32, #tpu.memory_space<hbm>> -> memref<4096xf32, #tpu.memory_space<hbm>>
        %dma_start3A_77 = tpu.memref_slice %arg8[%mul3A_4] : memref<106496xf32, #tpu.memory_space<hbm>> -> memref<4096xf32, #tpu.memory_space<hbm>>
        tpu.enqueue_dma source(%arg10 : memref<4096xf32, #tpu.memory_space<vmem>>) target(%dma_start3A_77 : memref<4096xf32, #tpu.memory_space<hbm>>) target_semaphore(%run_scoped3A : memref<!tpu.dma_semaphore, #tpu.memory_space<semaphore_mem>>)
        %dma_wait3A = tpu.memref_slice %arg8[%mul3A_4] : memref<106496xf32, #tpu.memory_space<hbm>> -> memref<4096xf32, #tpu.memory_space<hbm>>
        %dma_wait3A_78 = tpu.memref_slice %arg8[%mul3A_4] : memref<106496xf32, #tpu.memory_space<hbm>> -> memref<4096xf32, #tpu.memory_space<hbm>>
        tpu.wait_dma2 semaphore(%run_scoped3A : memref<!tpu.dma_semaphore, #tpu.memory_space<semaphore_mem>>) src(%arg10 : memref<4096xf32, #tpu.memory_space<vmem>>) dst(%dma_wait3A_78 : memref<4096xf32, #tpu.memory_space<hbm>>)
        tpu.yield
      }) : () -> ()
    } else {
    }
    return
  }
}

module attributes {stable_mosaic.version = 14 : i64} {
  func.func @_tc_mul_body(%arg0: i32, %arg1: memref<2x64x4096xf32, #tpu.memory_space<vmem>>, %arg2: memref<8192xf32, #tpu.memory_space<vmem>>, %arg3: memref<2x64x4096xf32, #tpu.memory_space<vmem>>) attributes {dimension_semantics = [#tpu.dimension_semantics<arbitrary>], iteration_bounds = array<i64: 13>, scalar_prefetch = 0 : i64, scratch_operands = 0 : i64, tpu.core_type = #tpu.core_type<tc>, window_params = [{transform_indices = @transform_0, window_bounds = array<i64: 2, 64, 4096>}, {transform_indices = @transform_1, window_bounds = array<i64: 8192>}, {transform_indices = @transform_2, window_bounds = array<i64: 2, 64, 4096>}]} {
    %get3A = arith.constant 0 : index
    %get3A_0 = vector.load %arg2[%get3A] : memref<8192xf32, #tpu.memory_space<vmem>>, vector<8192xf32>
    %mul3A = arith.constant 6.6874032 : f32
    %mul3A_1 = vector.broadcast %mul3A : f32 to vector<8192xf32>
    %mul3A_2 = arith.mulf %mul3A_1, %get3A_0 : vector<8192xf32>
    %logistic3A = arith.negf %mul3A_2 : vector<8192xf32>
    %logistic3A_3 = math.exp %logistic3A : vector<8192xf32>
    %logistic3A_4 = arith.constant 1.000000e+00 : f32
    %logistic3A_5 = vector.broadcast %logistic3A_4 : f32 to vector<8192xf32>
    %logistic3A_6 = arith.addf %logistic3A_5, %logistic3A_3 : vector<8192xf32>
    %logistic3A_7 = arith.divf %logistic3A_5, %logistic3A_6 : vector<8192xf32>
    %mul3A_8 = arith.constant 1.60653067 : f32
    %mul3A_9 = vector.broadcast %mul3A_8 : f32 to vector<8192xf32>
    %mul3A_10 = arith.mulf %mul3A_9, %logistic3A_7 : vector<8192xf32>
    %get3A_11 = arith.constant 0 : index
    %get3A_12 = arith.constant 0 : index
    %get3A_13 = arith.constant 0 : index
    %get3A_14 = vector.load %arg1[%get3A_11, %get3A_12, %get3A_13] : memref<2x64x4096xf32, #tpu.memory_space<vmem>>, vector<2x64x4096xf32>
    %reshape3A = vector.shape_cast %mul3A_10 : vector<8192xf32> to vector<2x1x4096xf32>
    %mul3A_15 = vector.broadcast %reshape3A : vector<2x1x4096xf32> to vector<2x64x4096xf32>
    %mul3A_16 = arith.mulf %get3A_14, %mul3A_15 : vector<2x64x4096xf32>
    %swap3A = arith.constant 0 : index
    %swap3A_17 = arith.constant 0 : index
    %swap3A_18 = arith.constant 0 : index
    %swap3A_19 = vector.load %arg3[%swap3A, %swap3A_17, %swap3A_18] : memref<2x64x4096xf32, #tpu.memory_space<vmem>>, vector<2x64x4096xf32>
    tpu.vector_store %arg3[%swap3A, %swap3A_17, %swap3A_18], %mul3A_16 {strides = array<i32>} : memref<2x64x4096xf32, #tpu.memory_space<vmem>>, vector<2x64x4096xf32>,
    return
  }
  func.func @transform_0(%arg0: i32) -> (i32, i32, i32) {
    %c0_i32 = arith.constant 0 : i32
    %c0_i32_0 = arith.constant 0 : i32
    %c0_i32_1 = arith.constant 0 : i32
    return %arg0, %c0_i32, %c0_i32_0 : i32, i32, i32
  }
  func.func @transform_1(%arg0: i32) -> i32 {
    %c0_i32 = arith.constant 0 : i32
    return %arg0 : i32
  }
  func.func @transform_2(%arg0: i32) -> (i32, i32, i32) {
    %c0_i32 = arith.constant 0 : i32
    %c0_i32_0 = arith.constant 0 : i32
    %c0_i32_1 = arith.constant 0 : i32
    return %arg0, %c0_i32, %c0_i32_0 : i32, i32, i32
  }
}

</mosaic_0001>

<sc_bundles>
// kernel: kernel.4.cloned.1.call-start
scs
__scs_entry_jumppad:
0x0: {  	(pc) =	sbr.rel $0x88, $3  }
0x1: {  	(tag) =	ssettag $0x0;
	lr =	simm.s32 $0x1  }
0x2: {  	[smem:$0x3F9E] =	sst lr;
	_ =	strace $0xD0000000  }
0x3: {  	_ = 	snop  }
0x4: {  	_ = 	snop  }
0x5: {  	_ = 	snop  }
0x6: {  	_ = 	snop  }
0x7: {  	_ = 	snop  }
__scs_overlays_trampoline_lowered:
0x8: {  	[smem:$0x3FAD] =	sst s0  }
0x9: {  	[smem:$0x3FAE] =	sst s1  }
0xa: {  	[smem:$0x3FAF] =	sst s2  }
0xb: {  	[smem:$0x3FB0] =	sst s3  }
0xc: {  	[smem:$0x3FB1] =	sst s4  }
0xd: {  	[smem:$0x3FB2] =	sst s5  }
0xe: {  	[smem:$0x3FB3] =	sst s6  }
0xf: {  	[smem:$0x3FB4] =	sst s7  }
0x10: {  	[smem:$0x3FB5] =	sst s8  }
0x11: {  	[smem:$0x3FB6] =	sst s9;
	s0 =	simm.s32 @!p0 $0x0  }
0x12: {  	s1 =	sld [smem:$0x3F9C];
	s0 =	simm.s32 @p0 $0x1  }
0x13: {  	[smem:$0x3FB7] =	sst s0;
	s0 =	simm.s32 @!p1 $0x0  }
0x14: {  	s2 =	sld [smem:$0x3F9B];
	s0 =	simm.s32 @p1 $0x1  }
0x15: {  	[smem:$0x3FB8] =	sst s0;
	s0 =	simm.s32 @!p2 $0x0  }
0x16: {  	s3 =	sld [smem:$0x3FDB];
	s0 =	simm.s32 @p2 $0x1  }
0x17: {  	s4 =	simm.s32 $0x1BF5;
	[smem:$0x3FBA] =	sst s0  }
0x18: {  	s0 =	sld [smem:$0x3F9D];
	_ =	swait.ge [sflag:s4], $0x0  }
0x19: {  	s7 =	sld [smem:$0x3F9E]  }
0x1a: {  	s8 =	sadd.s32 $0xFFFFE003, lr  }
0x1b: {  	s9 =	sadd.s32 $0xFFFFFEF7, lr;
	s5 =	simm.s32 $0xFFFFFFFF;
	p2 =	slt.u32 s8, $0xFFFFF086  }
0x1c: {  	p1 =	slt.u32 s9, $0xF7A;
	s5 =	simm.s32 @!p2 $0x0  }
0x1d: {  	s5 =	simm.s32 @p1 $0x1;
	p0 =	seq.s32 s7, s2  }
0x1e: {  	s7 =	smul.u32 @!p0 $0xF7A, s2;
	p2 =	seq.s32 @!p0 s5, $0x0  }
0x1f: {  	s9 =	smul.u32 $0xF7A, s1;
	s8 =	simm.s32 @!p0 $0x1BF5;
	p2 =	por !p2, p0  }
0x20: {  	[sflag:s8] =	ssyncset.s32 @!p0 $0xFFFFF086;
	s6 =	sadd.s32 @!p0 s3, s7;
	s7 =	simm.s32 @!p0 $0x108  }
0x21: {  	s3 =	sadd.s32 s3, s9;
	s6 =	sadd.s32 @!p0 $0x88, s6;
	s7 =	simm.s32 @p2 $0x1082  }
0x22: {  	[simem:s7], [sflag:s8] =	dma.local @!p0 [hbm:s6], $0xF7A  }
0x23: {  	s9 =	sor.u32 $0xD0000000, s2;
	s6 =	simm.s32 $0x108;
	_ =	swait.ge @!p0 [sflag:s8], $0x0  }
0x24: {  	s3 =	sadd.s32 $0x88, s3;
	s6 =	simm.s32 @!p1 $0x1082;
	[sflag:s4] =	ssyncset.s32 $0xFFFFF086  }
0x25: {  	[simem:s6], [sflag:s4] =	dma.local [hbm:s3], $0xF7A  }
0x26: {  	[smem:$0x3F9E] =	sst s1;
	(tag) =	ssettag s2;
	_ =	strace s9  }
0x27: {  	s1 =	sld [smem:$0x3FAE]  }
0x28: {  	s2 =	sld [smem:$0x3FAF]  }
0x29: {  	s4 =	sld [smem:$0x3FB1]  }
0x2a: {  	p0 =	seq.s32 s5, $0x0;
	s5 =	sld [smem:$0x3FB2]  }
0x2b: {  	s6 =	sld [smem:$0x3FB3]  }
0x2c: {  	s7 =	sld [smem:$0x3FB4]  }
0x2d: {  	s3 =	simm.s32 $0x108;
	s8 =	sld [smem:$0x3FB5]  }
0x2e: {  	s3 =	simm.s32 @!p0 $0x1082;
	s9 =	sld [smem:$0x3FB6]  }
0x2f: {  	lr =	sadd.s32 s0, s3;
	s0 =	sld [smem:$0x3FAD]  }
0x30: {  	s3 =	sld [smem:$0x3FB0]  }
0x31: {  	[smem:$0x3FB9] =	sst s10  }
0x32: {  	s10 =	sld [smem:$0x3FB7];
	_ =	sdelay $0x3  }
0x33: {  	p0 =	seq.s32 s10, $0x1;
	s10 =	sld [smem:$0x3FB9];
	_ =	sdelay $0x3  }
0x34: {  	[smem:$0x3FB9] =	sst s10  }
0x35: {  	s10 =	sld [smem:$0x3FB8];
	_ =	sdelay $0x3  }
0x36: {  	p1 =	seq.s32 s10, $0x1;
	s10 =	sld [smem:$0x3FB9];
	_ =	sdelay $0x3  }
0x37: {  	[smem:$0x3FB9] =	sst s10  }
0x38: {  	s10 =	sld [smem:$0x3FBA]  }
0x39: {  	_ = 	snop;
	(pc) =	sbr.ind lr, $3  }
0x3a: {  	_ = 	snop  }
0x3b: {  	_ = 	snop  }
0x3c: {  	p2 =	seq.s32 s10, $0x1;
	s10 =	sld [smem:$0x3FB9]  }
0x3d: {  	_ =	shalt  }
0x3e: {  	_ =	shalt  }
0x3f: {  	_ =	shalt  }
0x40: {  	_ =	shalt  }
0x41: {  	_ =	shalt  }
0x42: {  	_ =	shalt  }
0x43: {  	_ =	shalt  }
0x44: {  	_ =	shalt  }
0x45: {  	_ =	shalt  }
0x46: {  	_ =	shalt  }
0x47: {  	_ =	shalt  }
0x48: {  	_ =	shalt  }
0x49: {  	_ =	shalt  }
0x4a: {  	_ =	shalt  }
0x4b: {  	_ =	shalt  }
0x4c: {  	_ =	shalt  }
0x4d: {  	_ =	shalt  }
0x4e: {  	_ =	shalt  }
0x4f: {  	_ =	shalt  }
0x50: {  	_ =	shalt  }
0x51: {  	_ =	shalt  }
0x52: {  	_ =	shalt  }
0x53: {  	_ =	shalt  }
0x54: {  	_ =	shalt  }
0x55: {  	_ =	shalt  }
0x56: {  	_ =	shalt  }
0x57: {  	_ =	shalt  }
0x58: {  	_ =	shalt  }
0x59: {  	_ =	shalt  }
0x5a: {  	_ =	shalt  }
0x5b: {  	_ =	shalt  }
0x5c: {  	_ =	shalt  }
0x5d: {  	_ =	shalt  }
0x5e: {  	_ =	shalt  }
0x5f: {  	_ =	shalt  }
0x60: {  	_ =	shalt  }
0x61: {  	_ =	shalt  }
0x62: {  	_ =	shalt  }
0x63: {  	_ =	shalt  }
0x64: {  	_ =	shalt  }
0x65: {  	_ =	shalt  }
0x66: {  	_ =	shalt  }
0x67: {  	_ =	shalt  }
0x68: {  	_ =	shalt  }
0x69: {  	_ =	shalt  }
0x6a: {  	_ =	shalt  }
0x6b: {  	_ =	shalt  }
0x6c: {  	_ =	shalt  }
0x6d: {  	_ =	shalt  }
0x6e: {  	_ =	shalt  }
0x6f: {  	_ =	shalt  }
0x70: {  	_ =	shalt  }
0x71: {  	_ =	shalt  }
0x72: {  	_ =	shalt  }
0x73: {  	_ =	shalt  }
0x74: {  	_ =	shalt  }
0x75: {  	_ =	shalt  }
0x76: {  	_ =	shalt  }
0x77: {  	_ =	shalt  }
0x78: {  	_ =	shalt  }
0x79: {  	_ =	shalt  }
0x7a: {  	_ =	shalt  }
0x7b: {  	_ =	shalt  }
0x7c: {  	_ =	shalt  }
0x7d: {  	_ =	shalt  }
0x7e: {  	_ =	shalt  }
0x7f: {  	_ =	shalt  }
0x80: {  	_ =	shalt  }
0x81: {  	_ =	shalt  }
0x82: {  	_ =	shalt  }
0x83: {  	_ =	shalt  }
0x84: {  	_ =	shalt  }
0x85: {  	_ =	shalt  }
0x86: {  	_ =	shalt  }
0x87: {  	_ =	shalt  }
.Lfunc_end0:
.L_simem_size_0:
called_computation_lowered:
.L_overlay_start_0:
0x88: {  	s2 =	sld [smem:$0x3FD9]  }
0x89: {  	s3 =	sld [smem:$0x3FFE];
	_ =	sdelay $0x1  }
0x8a: {  	s1 =	srdreg.scid  }
0x8b: {  	s0 =	sand.u32 $0x1, s1  }
0x8c: {  	s17 =	sshll.u32 s0, $0xA;
	s2 =	sadd.s32 s3, s2  }
0x8d: {  	s2 =	sadd.s32 s2, s17  }
0x8e: {  	[smem:$0x3FC5] =	sst s2  }
0x8f: {  	_ = 	snop  }
0x90: {  	s2 =	sld [smem:$0x3FD0];
	(tm) =	ssettm $0x1  }
0x91: {  	s18 =	sld [smem:$0x3FFB];
	_ =	sdelay $0x3  }
0x92: {  	_ =	strace s18  }
0x93: {  	s3 =	sld [smem:$0x3FFC];
	_ =	sdelay $0x3  }
0x94: {  	_ =	strace s3  }
0x95: {  	s3 =	sld [smem:$0x3FFD];
	_ =	sdelay $0x3  }
0x96: {  	_ =	strace s3  }
0x97: {  	_ =	strace $0x8FFFFFFF  }
0x98: {  	s19 =	sld [smem:$0x3FDB];
	_ =	sdelay $0x1  }
0x99: {  	s4 =	simm.s32 $_scs_section_size  }
0x9a: {  	s5 =	simm.s32 $_size__tile_overlayer_lowered;
	s6 =	simm.s32 $_tile_overlayer_lowered  }
0x9b: {  	s22 =	simm.s32 $0x1BFF;
	s21 =	sshll.u32 s6, $0x1;
	s3 =	sadd.s32 s4, s19  }
0x9c: {  	s7 =	simm.s32 $0x0;
	s20 =	sshll.u32 s5, $0x1;
	s5 =	sadd.s32 s21, s3  }
0x9d: {  	[timem:s7], [sflag:s22] =	dma.local [hbm:s5], s20  }
0x9e: {  	_ =	swait.ge [sflag:s22], s20  }
0x9f: {  	s4 =	ssub.s32 $0x0, s20;
	[sflag:s22] =	ssyncset.done $0x0  }
0xa0: {  	[sflag:s22] =	ssyncadd.s32 s4;
	_ =	sdelay $0x1  }
0xa1: {  	s23 =	simm.s32 $0x1B8B  }
0xa2: {  	_ =	swait.ge [sflag:s23], $0x1  }
0xa3: {  	[sflag:s23] =	ssyncset.done $0x0  }
0xa4: {  	s25 =	simm.s32 $0x1B8E;
	s24 =	sld [smem:$0x3FFE];
	[sflag:s23] =	ssyncadd.s32 $0xFFFFFFFF  }
0xa5: {  	s26 =	simm.s32 $execute0_lowered;
	[smem:$0x3FD2] =	sst s25  }
0xa6: {  	s5 =	sshll.u32 s26, $0x1;
	_ =	strace $0x80000046;
	[dreg:$0x1] =	wrdreg $0xFFFFFFFF  }
0xa7: {  	s28 =	simm.s32 $_size_execute0_lowered;
	s3 =	sadd.s32 s3, s5;
	[dreg:$0x0] =	wrdreg $0x0  }
0xa8: {  	s5 =	sshll.u32 s28, $0x1;
	[dreg:$0x2] =	wrdreg s3  }
0xa9: {  	[dreg:$0x3] =	wrdreg s5  }
0xaa: {  	[dreg:$0x4] =	wrdreg $0xC0  }
0xab: {  	_ =	task [dreg:s7], $0x5FFFF  }
0xac: {  	[dreg:$0x1] =	wrdreg $0xFFFFFFFF  }
0xad: {  	[dreg:$0x0] =	wrdreg $0x60  }
0xae: {  	[dreg:$0x2] =	wrdreg s24  }
0xaf: {  	[dreg:$0x3] =	wrdreg s2  }
0xb0: {  	[dreg:$0x4] =	wrdreg $0x9  }
0xb1: {  	_ =	task.clear_ibuf [dreg:s7], $0x5FFFF;
	_ =	strace $0x90000046  }
0xb2: {  	s29 =	simm.s32 $0x9;
	_ =	strace $0x80000048  }
0xb3: {  	_ =	swait.ge [sflag:s29], $0x1  }
0xb4: {  	[sflag:s29] =	ssyncadd.s32 $0xFFFFFFFF  }
0xb5: {  	_ =	strace $0x90000048  }
0xb6: {  	_ =	sfence  }
0xb7: {  	s30 =	sld [smem:$0x0];
	_ =	sdelay $0x2  }
0xb8: {  	s31 =	sshll.u32 s1, $0xD;
	s1 =	sshrl.u32 s1, $0x2  }
0xb9: {  	s3 =	sand.u32 $0x4000, s31;
	s1 =	sadd.s32 s1, s30  }
0xba: {  	s0 =	sor.u32 s3, s0;
	s1 =	sshll.u32 s1, $0x11  }
0xbb: {  	s0 =	sor.u32 s1, s0  }
0xbc: {  	s0 =	sadd.s32 $0x8F2B, s0  }
0xbd: {  	[sflag:s0] =	ssyncadd.remote.s32 $0x1  }
0xbe: {  	_ =	sfence.sel $0xFFFF  }
0xbf: {  	[dreg:$0x0] =	wrdreg $0xFFFFFFFF;
	(pc) =	sbr.abs _section_cstart, $3  }
0xc0: {  	[dreg:$0x1] =	wrdreg $0xFFFFFFFF  }
0xc1: {  	_ =	task.clear_ibuf [dreg:s7], $0x2FFFF;
	_ =	strace $0x9FFFFFFF  }
0xc2: {  	(tm) =	ssettm $0x7FFFFFFF  }
0xc3: {  	_ =	shalt  }
tec
execute0_lowered:
.L_overlay_start_1:
0x0: {  	(tag) =	ssettag $0x1  }
0x1: {  	s1 =	stileid.u32  }
0x2: {  	p0 =	sgt.u32 s1, $0xC  }
.Ltmp0:
0x3: {  	_ = 	snop;
	(pc) =	sbr.rel @p0 .LBB2_5-.Ltmp0, $4  }
0x4: {  	s6 =	rddreg [dreg:$0x0]  }
0x5: {  	s2 =	rddreg [dreg:$0x1];
	s3 =	simm.s32 $0x0  }
0x6: {  	[smem:$0x7FF] =	sst s3  }
0x7: {  	s0 =	rddreg [dreg:$0x2];
	_ =	strace $0x80000047  }
0x8: {  	s4 =	smul.u32 $0x56, s1;
	s5 =	srdreg.scid;
	s8 =	sshll.u32 s1, $0x1  }
0x9: {  	s10 =	sadd.s32 $0x3DE00, s6;
	s11 =	sadd.s32 $0x19200, s6;
	s13 =	sadd.s32 $0x6C00, s6  }
0xa: {  	p0 =	seq.s32 s1, $0xC;
	p2 =	sne.s32 s1, $0xC;
	s4 =	sshrl.u32 s4, $0x8  }
0xb: {  	s7 =	sand.u32 $0x1, s5;
	s5 =	sadd.s32 $0xA00, s6;
	s4 =	smul.u32 $0xFFFFFFFA, s4  }
0xc: {  	s30 =	sadd.s32 $0xFFFFFFFA, s8;
	s9 =	sor.u32 s7, s8;
	s7 =	ssub.s32 $0x2, s7  }
0xd: {  	p1 =	slt.u32 s30, $0xC;
	s31 =	sshrl.u32 s7, $0x1;
	s28 =	sadd.s32 s9, s4  }
0xe: {  	s8 =	ssub.s32 s7, s31;
	s9 =	sshll.u32 s9, $0x9;
	s12 =	smul.u32 $0x186A0, s28  }
0xf: {  	s4 =	sadd.s32 $0x2B800, s6;
	s8 =	smax.u32 s8, $0x1;
	s29 =	sadd.s32 s9, s6  }
0x10: {  	s7 =	sadd.s32 s10, s9;
	s9 =	simm.s32 $0x2;
	s14 =	sadd.s32 $0x280, s12  }
0x11: {  	s10 =	simm.s32 $0x1000;
	s12 =	smov.u32 @p0 s14;
	p0 =	slt.u32 s30, $0x6  }
0x12: {  	s6 =	sadd.s32 $0x41200, s29;
	s13 =	smov.u32 @p0 s11;
	p0 =	sgt.u32 s1, $0x2  }
0x13: {  	v0 =	vmov s12;
	s11 =	simm.s32 $0x0;
	s2 =	smov.u32 @p1 s13;
	p1 =	sgt.u32 s30, $0x11  }
.LBB2_2:
0x14: {  	[tilespmem:s3], [sflag:$0x2] =	stream.linear.gather [hbm4b:s7+s3], $0x1000, $0x38;
	[tilespmem:$0x2000] =	vst v63  }
0x15: {  	_ =	swait.ge [sflag:s9], $0x1000  }
0x16: {  	[sflag:s9] =	ssyncset.done $0x0  }
0x17: {  	s12 =	simm.s32 $0x40;
	[sflag:s9] =	ssyncadd.s32 $0xFFFFF000  }
0x18: {  	v3 =	vld [tilespmem:s12+$0xFFFFFFC0]  }
0x19: {  	v4 =	vld [tilespmem:s12+$0xFFFFFFD0]  }
0x1a: {  	v5 =	vld [tilespmem:s12+$0xFFFFFFE0]  }
0x1b: {  	v2 =	vld [tilespmem:s12+$0x0]  }
0x1c: {  	v1 =	vld [tilespmem:s12+$0x10]  }
0x1d: {  	v6 =	vadd.s32 v0, v3;
	v3 =	vld [tilespmem:s12+$0x20]  }
0x1e: {  	[tilespmem:s12+$0xFFFFFFC0] =	vst v6;
	v6 =	vadd.s32 v0, v4;
	v4 =	vld [tilespmem:s12+$0x30]  }
0x1f: {  	s13 =	simm.s32 $0x0;
	s14 =	simm.s32 $0xC0;
	[tilespmem:s12+$0xFFFFFFD0] =	vst v6;
	v6 =	vadd.s32 v0, v5;
	v5 =	vld [tilespmem:s12+$0xFFFFFFF0]  }
.LBB2_3:
0x20: {  	v7 =	vld [tilespmem:s14+$0xFFFFFFC0];
	[tilespmem:s12+$0xFFFFFFE0] =	vst v6;
	v2 =	vadd.s32 v0, v2  }
0x21: {  	s13 =	sadd.s32 $0x8, s13;
	v6 =	vld [tilespmem:s14+$0xFFFFFFD0];
	[tilespmem:s12+$0x0] =	vst v2;
	v1 =	vadd.s32 v0, v1  }
0x22: {  	p3 =	slt.u32 s13, $0xF8;
	v8 =	vld [tilespmem:s14+$0xFFFFFFE0];
	[tilespmem:s12+$0x10] =	vst v1;
	v1 =	vadd.s32 v0, v3  }
.Ltmp1:
0x23: {  	v2 =	vld [tilespmem:s14+$0x0];
	[tilespmem:s12+$0x20] =	vst v1;
	v3 =	vadd.s32 v0, v4;
	(pc) =	sbr.rel @p3 .LBB2_3-.Ltmp1, $4  }
0x24: {  	v1 =	vld [tilespmem:s14+$0x10];
	v4 =	vadd.s32 v0, v5;
	[tilespmem:s12+$0x30] =	vst v3  }
0x25: {  	v5 =	vadd.s32 v0, v7;
	v3 =	vld [tilespmem:s14+$0x20];
	[tilespmem:s12+$0xFFFFFFF0] =	vst v4;
	s12 =	smov.u32 s14  }
0x26: {  	[tilespmem:s14+$0xFFFFFFC0] =	vst v5;
	v5 =	vadd.s32 v0, v6;
	v4 =	vld [tilespmem:s14+$0x30]  }
0x27: {  	s14 =	sadd.s32 $0x80, s14;
	[tilespmem:s12+$0xFFFFFFD0] =	vst v5;
	v6 =	vadd.s32 v0, v8;
	v5 =	vld [tilespmem:s12+$0xFFFFFFF0]  }
0x28: {  	[tilespmem:s12+$0xFFFFFFE0] =	vst v6;
	v2 =	vadd.s32 v0, v2  }
0x29: {  	[tilespmem:s12+$0x0] =	vst v2;
	v1 =	vadd.s32 v0, v1  }
0x2a: {  	[tilespmem:s12+$0x10] =	vst v1;
	v1 =	vadd.s32 v0, v3  }
0x2b: {  	[tilespmem:s12+$0x20] =	vst v1;
	v1 =	vadd.s32 v0, v4  }
0x2c: {  	v2 =	vadd.s32 v0, v5;
	[tilespmem:s12+$0x30] =	vst v1  }
0x2d: {  	s13 =	simm.s32 @!p0 $0x1000;
	[tilespmem:s12+$0xFFFFFFF0] =	vst v2;
	s12 =	simm.s32 @!p0 $0x0  }
0x2e: {  	[tilespmem:s13], [sflag:$0x1] =	stream.indirect.gather @!p0 [hbm4b:s4+s13], $0x1, s12, s13, $0xb8;
	[tilespmem:$0x2000] =	vst v63  }
0x2f: {  	s12 =	simm.s32 @!p0 $0x1  }
0x30: {  	_ =	swait.ge @!p0 [sflag:s12], $0x1000  }
0x31: {  	[sflag:s12] =	ssyncset.done @!p0 $0x0  }
0x32: {  	s13 =	simm.s32 @!p1 $0x1000;
	[sflag:s12] =	ssyncadd.s32 @!p0 $0xFFFFF000;
	s12 =	simm.s32 @!p1 $0x0  }
0x33: {  	[tilespmem:s13], [sflag:$0x1] =	stream.indirect.gather @!p1 [hbm4b:s2+s13], $0x1, s12, s13, $0xb8;
	[tilespmem:$0x2000] =	vst v63  }
0x34: {  	s12 =	simm.s32 @!p1 $0x1  }
0x35: {  	_ =	swait.ge @!p1 [sflag:s12], $0x1000  }
0x36: {  	[sflag:s12] =	ssyncset.done @!p1 $0x0  }
0x37: {  	s13 =	simm.s32 @!p2 $0x1000;
	[sflag:s12] =	ssyncadd.s32 @!p1 $0xFFFFF000;
	s12 =	simm.s32 @!p2 $0x0  }
0x38: {  	[tilespmem:s13], [sflag:$0x1] =	stream.indirect.gather @!p2 [hbm4b:s5+s13], $0x1, s12, s13, $0xb8;
	[tilespmem:$0x2000] =	vst v63  }
0x39: {  	s12 =	simm.s32 @!p2 $0x1  }
0x3a: {  	s11 =	sadd.s32 $0x1, s11;
	_ =	swait.ge @!p2 [sflag:s12], $0x1000  }
0x3b: {  	p3 =	sne.s32 s11, s8;
	[sflag:s12] =	ssyncset.done @!p2 $0x0  }
.Ltmp2:
0x3c: {  	[sflag:s12] =	ssyncadd.s32 @!p2 $0xFFFFF000;
	(pc) =	sbr.rel @p3 .LBB2_2-.Ltmp2, $4  }
0x3d: {  	[hbm4b:s6+s3] =	stream.linear.scatter [tilespmem:s10], [sflag:$0x2], $0x1000, $0x38;
	[tilespmem:$0x2000] =	vst v63  }
0x3e: {  	_ =	swait.ge [sflag:s9], $0x1000  }
0x3f: {  	[sflag:s9] =	ssyncset.done $0x0  }
0x40: {  	[sflag:s9] =	ssyncadd.s32 $0xFFFFF000  }
.LBB2_5:
0x41: {  	_ =	sfence.sel $0x180000  }
0x42: {  	[bflag:$0x0] =	sbarrier.arrive $0xFFFF  }
0x43: {  	p0 =	sne.s32 s1, $0x0;
	_ =	strace $0x90000047  }
0x44: {  	s0 =	sadd.s32 @!p0 $0x100000, s0;
	[bflag:$0x2] =	sbarrier.arrive $0xFFFF  }
0x45: {  	[sflag:s0] =	ssyncadd.tile.s32 @!p0 $0x1;
	_ =	shalt  }
.Lfunc_end2:
_tile_overlayer_lowered:
.L_overlay_start_2:
0x46: {  	(tag) =	ssettag $0x2  }
0x47: {  	s0 =	rddreg [dreg:$0x0];
	s2 =	stileid.u32  }
0x48: {  	s1 =	rddreg [dreg:$0x1];
	p0 =	sne.s32 s2, $0x0  }
0x49: {  	s3 =	rddreg [dreg:$0x2];
	[bflag:$0x3] =	sbarrier.arrive $0xFFFF;
	s2 =	simm.s32 @!p0 $0x1C02  }
0x4a: {  	[timem:s3], [sflag:s2] =	dma.local @!p0 [hbm:s0], s1  }
0x4b: {  	s0 =	simm.s32 @!p0 $0x2  }
0x4c: {  	_ =	swait.ge @!p0 [sflag:s0], s1  }
0x4d: {  	s1 =	ssub.s32 @!p0 $0x0, s1;
	[sflag:s0] =	ssyncset.done @!p0 $0x0  }
0x4e: {  	[sflag:s0] =	ssyncadd.s32 @!p0 s1  }
0x4f: {  	[bflag:$0x3] =	sbarrier.arrive $0xFFFF  }
0x50: {  	_ =	shalt  }

</sc_bundles>
